<compile_context>
chip_gen: v7x
topology: tpu7x:2x2x1
jax: 0.10.2.dev20260603
libtpu: 0.0.44.dev20260713+nightly
codegen_flags: <defaults>
</compile_context>

<pallas_src>
import jax
import jax.numpy as jnp
from jax.experimental import pallas as pl
from jax.experimental.pallas import tpu as pltpu

N, D, C, A, H = 50000, 2048, 50, 512, 1024
K = 100
BM = 1024


def _rownorm_sq(x, bm):
    x2 = x * x
    chunks = [x2[:, k * 128:(k + 1) * 128] for k in range(16)]

    def chain(cs):
        acc = cs[0] + cs[1]
        for c in cs[2:]:
            acc = acc + c
        return acc

    a = chain(chunks[:8])
    b = chain(chunks[8:])
    g = bm // 128

    def tsum(m):
        mt = jnp.swapaxes(m.reshape(g, 128, 128), 1, 2)
        acc = mt[:, 0:8, :]
        for k in range(1, 16):
            acc = acc + mt[:, 8 * k:8 * (k + 1), :]
        return acc

    s = tsum(a) + tsum(b)
    s0, s1, s2, s3 = s[:, 0, :], s[:, 1, :], s[:, 2, :], s[:, 3, :]
    s4, s5, s6, s7 = s[:, 4, :], s[:, 5, :], s[:, 6, :], s[:, 7, :]
    tot = ((s0 + s4) + (s2 + s6)) + ((s1 + s5) + (s3 + s7))
    bc = jnp.broadcast_to(tot.reshape(g, 1, 128), (g, 128, 128))
    col = jnp.swapaxes(bc, 1, 2)[:, :, 0:1]
    return col.reshape(bm, 1)


def _proto_kernel(attr_ref, w1_ref, b1_ref, w2_ref, b2_ref, proto_ref):
    h = jnp.maximum(jnp.dot(attr_ref[...], w1_ref[...],
                            preferred_element_type=jnp.float32) + b1_ref[...], 0.0)
    p = jnp.maximum(jnp.dot(h, w2_ref[...],
                            preferred_element_type=jnp.float32) + b2_ref[...], 0.0)
    p_pad = jnp.concatenate([p, jnp.zeros((128 - C, D), jnp.float32)], axis=0)
    nrm = jnp.sqrt(_rownorm_sq(p_pad, 128)[:C])
    proto_ref[...] = p / (nrm + 1e-12)


def _scores_kernel(x_ref, protot_ref, scores_ref, maxval_ref, pred_ref):
    x = x_ref[...]
    nrm = jnp.sqrt(_rownorm_sq(x, x.shape[0]))
    feat = x / (nrm + 1e-12)
    s = jnp.dot(feat, protot_ref[...], preferred_element_type=jnp.float32)
    scores_ref[...] = s
    maxval_ref[...] = jnp.max(s, axis=-1, keepdims=True)
    pred_ref[...] = jnp.argmax(s, axis=-1, keepdims=True).astype(jnp.int32)


def _gather_kernel(idx_ref, x_ref, o_ref):
    o_ref[...] = x_ref[...]


def kernel(test_unseen_feat, unseen_attr, fc1_w, fc1_b, fc2_w, fc2_b):
    proto = pl.pallas_call(
        _proto_kernel,
        out_shape=jax.ShapeDtypeStruct((C, D), jnp.float32),
    )(unseen_attr, fc1_w, fc1_b.reshape(1, H), fc2_w, fc2_b.reshape(1, D))

    protot = proto.T

    grid = (pl.cdiv(N, BM),)
    scores, max_val, pred_idx = pl.pallas_call(
        _scores_kernel,
        grid=grid,
        in_specs=[
            pl.BlockSpec((BM, D), lambda i: (i, 0)),
            pl.BlockSpec((D, C), lambda i: (0, 0)),
        ],
        out_specs=[
            pl.BlockSpec((BM, C), lambda i: (i, 0)),
            pl.BlockSpec((BM, 1), lambda i: (i, 0)),
            pl.BlockSpec((BM, 1), lambda i: (i, 0)),
        ],
        out_shape=[
            jax.ShapeDtypeStruct((N, C), jnp.float32),
            jax.ShapeDtypeStruct((N, 1), jnp.float32),
            jax.ShapeDtypeStruct((N, 1), jnp.int32),
        ],
    )(test_unseen_feat, protot)

    max_val = max_val.reshape(N)
    pred_idx = pred_idx.reshape(N)

    top_vals, top_idx = jax.lax.top_k(scores.T, K)
    selected_idx = top_idx.T.reshape(-1)
    outpred = jnp.tile(jnp.arange(C, dtype=jnp.int32), K)

    x3 = test_unseen_feat.reshape(N, 16, 128)
    selected_feat = pl.pallas_call(
        _gather_kernel,
        grid_spec=pltpu.PrefetchScalarGridSpec(
            num_scalar_prefetch=1,
            grid=(K * C,),
            in_specs=[pl.BlockSpec((1, 16, 128), lambda i, idx_ref: (idx_ref[i], 0, 0))],
            out_specs=pl.BlockSpec((1, 16, 128), lambda i, idx_ref: (i, 0, 0)),
        ),
        out_shape=jax.ShapeDtypeStruct((K * C, 16, 128), jnp.float32),
    )(selected_idx, x3).reshape(K * C, D)

    return scores, selected_feat, pred_idx, max_val, selected_idx, outpred

# --- scband reference (transcript-rebuilt; emitter-appended) ---
"""Pipeline reference for scband-update-reliable-unseen-data-9500467659004 (READ-ONLY COPY).

The authoritative reference and input builder live on the scoring server;
editing this copy changes nothing except your own understanding.
"""

import jax, jax.numpy as jnp
import numpy as np

N, D, C, A, H = 50000, 2048, 50, 512, 1024
K = 100  # selected_num per class (constant reliable filter)


def setup_inputs(seed: int = 0) -> dict:
    key = jax.random.key(seed)
    k1, k2, k3, k4 = jax.random.split(key, 4)
    return {
        "test_unseen_feat": jax.random.normal(k1, (N, D), dtype=jnp.float32),
        "unseen_attr": jax.random.uniform(k2, (C, A), dtype=jnp.float32),
        "fc1_w": jax.random.normal(k3, (A, H), dtype=jnp.float32) * 0.02,
        "fc1_b": jnp.zeros((H,), dtype=jnp.float32),
        "fc2_w": jax.random.normal(k4, (H, D), dtype=jnp.float32) * 0.02,
        "fc2_b": jnp.zeros((D,), dtype=jnp.float32),
    }


def reference(test_unseen_feat, unseen_attr, fc1_w, fc1_b, fc2_w, fc2_b):
    # F.normalize(test_unseen_feat, dim=-1, p=2)
    feat = test_unseen_feat / (jnp.linalg.norm(test_unseen_feat, axis=-1, keepdims=True) + 1e-12)
    # unseen_prototype = relu(fc_s_2(relu(fc_s_1(unseen_attr))))
    h = jax.nn.relu(unseen_attr @ fc1_w + fc1_b)
    proto = jax.nn.relu(h @ fc2_w + fc2_b)
    proto = proto / (jnp.linalg.norm(proto, axis=-1, keepdims=True) + 1e-12)
    # pre_unseen_scores = feat @ proto.T  -> [N, C]
    scores = feat @ proto.T
    # max over classes (per-sample prediction)
    max_val = jnp.max(scores, axis=1)
    pred_idx = jnp.argmax(scores, axis=1)
    # 'constant' filter: sort dim=0 descending, take top K rows per class.
    # torch: sorted_idx = scores.sort(dim=0, descending=True)[1]; selected_idx = sorted_idx[:K].reshape(-1)
    # jax: top_k works along last axis, so operate on scores.T -> [C, K], then transpose back to [K, C]
    top_vals, top_idx = jax.lax.top_k(scores.T, K)  # [C, K]
    selected_idx = top_idx.T.reshape(-1)            # row-major [K, C] flatten, matches torch
    # outpred = t.arange(C).repeat(K).view(-1) -> tile pattern
    outpred = jnp.tile(jnp.arange(C, dtype=jnp.int32), K)
    # gather pseudo-labeled unseen training features (memory-bound gather)
    selected_feat = jnp.take(test_unseen_feat, selected_idx, axis=0)  # [K*C, D]
    return scores, selected_feat, pred_idx, max_val, selected_idx, outpred

if __name__ == "__main__":
    import jax
    _d = setup_inputs()
    print(jax.jit(kernel)(*tuple(_d.values())))

</pallas_src>

<mosaic_0001>
module attributes {stable_mosaic.version = 14 : i64} {
  func.func @_scores_kernel(%arg0: i32, %arg1: memref<1024x2048xf32, #tpu.memory_space<vmem>>, %arg2: memref<2048x50xf32, #tpu.memory_space<vmem>>, %arg3: memref<1024x50xf32, #tpu.memory_space<vmem>>, %arg4: memref<1024x1xf32, #tpu.memory_space<vmem>>, %arg5: memref<1024x1xi32, #tpu.memory_space<vmem>>) attributes {dimension_semantics = [#tpu.dimension_semantics<arbitrary>], iteration_bounds = array<i64: 49>, scalar_prefetch = 0 : i64, scratch_operands = 0 : i64, tpu.core_type = #tpu.core_type<tc>, window_params = [{transform_indices = @transform_0, window_bounds = array<i64: 1024, 2048>}, {pipeline_mode = #tpu.pipeline_mode<synchronous>, transform_indices = @transform_1, window_bounds = array<i64: 2048, 50>}, {transform_indices = @transform_2, window_bounds = array<i64: 1024, 50>}, {transform_indices = @transform_3, window_bounds = array<i64: 1024, 1>}, {transform_indices = @transform_4, window_bounds = array<i64: 1024, 1>}]} {
    %get3A = arith.constant 0 : index
    %get3A_0 = arith.constant 0 : index
    %get3A_1 = vector.load %arg1[%get3A, %get3A_0] : memref<1024x2048xf32, #tpu.memory_space<vmem>>, vector<1024x2048xf32>
    %mul3A = arith.mulf %get3A_1, %get3A_1 : vector<1024x2048xf32>
    %slice3A = vector.extract_strided_slice %mul3A {offsets = [0, 0], sizes = [1024, 128], strides = [1, 1]} : vector<1024x2048xf32> to vector<1024x128xf32>
    %slice3A_2 = vector.extract_strided_slice %mul3A {offsets = [0, 128], sizes = [1024, 128], strides = [1, 1]} : vector<1024x2048xf32> to vector<1024x128xf32>
    %slice3A_3 = vector.extract_strided_slice %mul3A {offsets = [0, 256], sizes = [1024, 128], strides = [1, 1]} : vector<1024x2048xf32> to vector<1024x128xf32>
    %slice3A_4 = vector.extract_strided_slice %mul3A {offsets = [0, 384], sizes = [1024, 128], strides = [1, 1]} : vector<1024x2048xf32> to vector<1024x128xf32>
    %slice3A_5 = vector.extract_strided_slice %mul3A {offsets = [0, 512], sizes = [1024, 128], strides = [1, 1]} : vector<1024x2048xf32> to vector<1024x128xf32>
    %slice3A_6 = vector.extract_strided_slice %mul3A {offsets = [0, 640], sizes = [1024, 128], strides = [1, 1]} : vector<1024x2048xf32> to vector<1024x128xf32>
    %slice3A_7 = vector.extract_strided_slice %mul3A {offsets = [0, 768], sizes = [1024, 128], strides = [1, 1]} : vector<1024x2048xf32> to vector<1024x128xf32>
    %slice3A_8 = vector.extract_strided_slice %mul3A {offsets = [0, 896], sizes = [1024, 128], strides = [1, 1]} : vector<1024x2048xf32> to vector<1024x128xf32>
    %slice3A_9 = vector.extract_strided_slice %mul3A {offsets = [0, 1024], sizes = [1024, 128], strides = [1, 1]} : vector<1024x2048xf32> to vector<1024x128xf32>
    %slice3A_10 = vector.extract_strided_slice %mul3A {offsets = [0, 1152], sizes = [1024, 128], strides = [1, 1]} : vector<1024x2048xf32> to vector<1024x128xf32>
    %slice3A_11 = vector.extract_strided_slice %mul3A {offsets = [0, 1280], sizes = [1024, 128], strides = [1, 1]} : vector<1024x2048xf32> to vector<1024x128xf32>
    %slice3A_12 = vector.extract_strided_slice %mul3A {offsets = [0, 1408], sizes = [1024, 128], strides = [1, 1]} : vector<1024x2048xf32> to vector<1024x128xf32>
    %slice3A_13 = vector.extract_strided_slice %mul3A {offsets = [0, 1536], sizes = [1024, 128], strides = [1, 1]} : vector<1024x2048xf32> to vector<1024x128xf32>
    %slice3A_14 = vector.extract_strided_slice %mul3A {offsets = [0, 1664], sizes = [1024, 128], strides = [1, 1]} : vector<1024x2048xf32> to vector<1024x128xf32>
    %slice3A_15 = vector.extract_strided_slice %mul3A {offsets = [0, 1792], sizes = [1024, 128], strides = [1, 1]} : vector<1024x2048xf32> to vector<1024x128xf32>
    %slice3A_16 = vector.extract_strided_slice %mul3A {offsets = [0, 1920], sizes = [1024, 128], strides = [1, 1]} : vector<1024x2048xf32> to vector<1024x128xf32>
    %add3A = arith.addf %slice3A, %slice3A_2 : vector<1024x128xf32>
    %add3A_17 = arith.addf %add3A, %slice3A_3 : vector<1024x128xf32>
    %add3A_18 = arith.addf %add3A_17, %slice3A_4 : vector<1024x128xf32>
    %add3A_19 = arith.addf %add3A_18, %slice3A_5 : vector<1024x128xf32>
    %add3A_20 = arith.addf %add3A_19, %slice3A_6 : vector<1024x128xf32>
    %add3A_21 = arith.addf %add3A_20, %slice3A_7 : vector<1024x128xf32>
    %add3A_22 = arith.addf %add3A_21, %slice3A_8 : vector<1024x128xf32>
    %add3A_23 = arith.addf %slice3A_9, %slice3A_10 : vector<1024x128xf32>
    %add3A_24 = arith.addf %add3A_23, %slice3A_11 : vector<1024x128xf32>
    %add3A_25 = arith.addf %add3A_24, %slice3A_12 : vector<1024x128xf32>
    %add3A_26 = arith.addf %add3A_25, %slice3A_13 : vector<1024x128xf32>
    %add3A_27 = arith.addf %add3A_26, %slice3A_14 : vector<1024x128xf32>
    %add3A_28 = arith.addf %add3A_27, %slice3A_15 : vector<1024x128xf32>
    %add3A_29 = arith.addf %add3A_28, %slice3A_16 : vector<1024x128xf32>
    %reshape3A = vector.shape_cast %add3A_22 : vector<1024x128xf32> to vector<8x128x128xf32>
    %transpose3A = tpu.transpose %reshape3A, [0, 2, 1] : vector<8x128x128xf32> -> vector<8x128x128xf32>
    %slice3A_30 = vector.extract_strided_slice %transpose3A {offsets = [0, 0, 0], sizes = [8, 8, 128], strides = [1, 1, 1]} : vector<8x128x128xf32> to vector<8x8x128xf32>
    %slice3A_31 = vector.extract_strided_slice %transpose3A {offsets = [0, 8, 0], sizes = [8, 8, 128], strides = [1, 1, 1]} : vector<8x128x128xf32> to vector<8x8x128xf32>
    %add3A_32 = arith.addf %slice3A_30, %slice3A_31 : vector<8x8x128xf32>
    %slice3A_33 = vector.extract_strided_slice %transpose3A {offsets = [0, 16, 0], sizes = [8, 8, 128], strides = [1, 1, 1]} : vector<8x128x128xf32> to vector<8x8x128xf32>
    %add3A_34 = arith.addf %add3A_32, %slice3A_33 : vector<8x8x128xf32>
    %slice3A_35 = vector.extract_strided_slice %transpose3A {offsets = [0, 24, 0], sizes = [8, 8, 128], strides = [1, 1, 1]} : vector<8x128x128xf32> to vector<8x8x128xf32>
    %add3A_36 = arith.addf %add3A_34, %slice3A_35 : vector<8x8x128xf32>
    %slice3A_37 = vector.extract_strided_slice %transpose3A {offsets = [0, 32, 0], sizes = [8, 8, 128], strides = [1, 1, 1]} : vector<8x128x128xf32> to vector<8x8x128xf32>
    %add3A_38 = arith.addf %add3A_36, %slice3A_37 : vector<8x8x128xf32>
    %slice3A_39 = vector.extract_strided_slice %transpose3A {offsets = [0, 40, 0], sizes = [8, 8, 128], strides = [1, 1, 1]} : vector<8x128x128xf32> to vector<8x8x128xf32>
    %add3A_40 = arith.addf %add3A_38, %slice3A_39 : vector<8x8x128xf32>
    %slice3A_41 = vector.extract_strided_slice %transpose3A {offsets = [0, 48, 0], sizes = [8, 8, 128], strides = [1, 1, 1]} : vector<8x128x128xf32> to vector<8x8x128xf32>
    %add3A_42 = arith.addf %add3A_40, %slice3A_41 : vector<8x8x128xf32>
    %slice3A_43 = vector.extract_strided_slice %transpose3A {offsets = [0, 56, 0], sizes = [8, 8, 128], strides = [1, 1, 1]} : vector<8x128x128xf32> to vector<8x8x128xf32>
    %add3A_44 = arith.addf %add3A_42, %slice3A_43 : vector<8x8x128xf32>
    %slice3A_45 = vector.extract_strided_slice %transpose3A {offsets = [0, 64, 0], sizes = [8, 8, 128], strides = [1, 1, 1]} : vector<8x128x128xf32> to vector<8x8x128xf32>
    %add3A_46 = arith.addf %add3A_44, %slice3A_45 : vector<8x8x128xf32>
    %slice3A_47 = vector.extract_strided_slice %transpose3A {offsets = [0, 72, 0], sizes = [8, 8, 128], strides = [1, 1, 1]} : vector<8x128x128xf32> to vector<8x8x128xf32>
    %add3A_48 = arith.addf %add3A_46, %slice3A_47 : vector<8x8x128xf32>
    %slice3A_49 = vector.extract_strided_slice %transpose3A {offsets = [0, 80, 0], sizes = [8, 8, 128], strides = [1, 1, 1]} : vector<8x128x128xf32> to vector<8x8x128xf32>
    %add3A_50 = arith.addf %add3A_48, %slice3A_49 : vector<8x8x128xf32>
    %slice3A_51 = vector.extract_strided_slice %transpose3A {offsets = [0, 88, 0], sizes = [8, 8, 128], strides = [1, 1, 1]} : vector<8x128x128xf32> to vector<8x8x128xf32>
    %add3A_52 = arith.addf %add3A_50, %slice3A_51 : vector<8x8x128xf32>
    %slice3A_53 = vector.extract_strided_slice %transpose3A {offsets = [0, 96, 0], sizes = [8, 8, 128], strides = [1, 1, 1]} : vector<8x128x128xf32> to vector<8x8x128xf32>
    %add3A_54 = arith.addf %add3A_52, %slice3A_53 : vector<8x8x128xf32>
    %slice3A_55 = vector.extract_strided_slice %transpose3A {offsets = [0, 104, 0], sizes = [8, 8, 128], strides = [1, 1, 1]} : vector<8x128x128xf32> to vector<8x8x128xf32>
    %add3A_56 = arith.addf %add3A_54, %slice3A_55 : vector<8x8x128xf32>
    %slice3A_57 = vector.extract_strided_slice %transpose3A {offsets = [0, 112, 0], sizes = [8, 8, 128], strides = [1, 1, 1]} : vector<8x128x128xf32> to vector<8x8x128xf32>
    %add3A_58 = arith.addf %add3A_56, %slice3A_57 : vector<8x8x128xf32>
    %slice3A_59 = vector.extract_strided_slice %transpose3A {offsets = [0, 120, 0], sizes = [8, 8, 128], strides = [1, 1, 1]} : vector<8x128x128xf32> to vector<8x8x128xf32>
    %add3A_60 = arith.addf %add3A_58, %slice3A_59 : vector<8x8x128xf32>
    %reshape3A_61 = vector.shape_cast %add3A_29 : vector<1024x128xf32> to vector<8x128x128xf32>
    %transpose3A_62 = tpu.transpose %reshape3A_61, [0, 2, 1] : vector<8x128x128xf32> -> vector<8x128x128xf32>
    %slice3A_63 = vector.extract_strided_slice %transpose3A_62 {offsets = [0, 0, 0], sizes = [8, 8, 128], strides = [1, 1, 1]} : vector<8x128x128xf32> to vector<8x8x128xf32>
    %slice3A_64 = vector.extract_strided_slice %transpose3A_62 {offsets = [0, 8, 0], sizes = [8, 8, 128], strides = [1, 1, 1]} : vector<8x128x128xf32> to vector<8x8x128xf32>
    %add3A_65 = arith.addf %slice3A_63, %slice3A_64 : vector<8x8x128xf32>
    %slice3A_66 = vector.extract_strided_slice %transpose3A_62 {offsets = [0, 16, 0], sizes = [8, 8, 128], strides = [1, 1, 1]} : vector<8x128x128xf32> to vector<8x8x128xf32>
    %add3A_67 = arith.addf %add3A_65, %slice3A_66 : vector<8x8x128xf32>
    %slice3A_68 = vector.extract_strided_slice %transpose3A_62 {offsets = [0, 24, 0], sizes = [8, 8, 128], strides = [1, 1, 1]} : vector<8x128x128xf32> to vector<8x8x128xf32>
    %add3A_69 = arith.addf %add3A_67, %slice3A_68 : vector<8x8x128xf32>
    %slice3A_70 = vector.extract_strided_slice %transpose3A_62 {offsets = [0, 32, 0], sizes = [8, 8, 128], strides = [1, 1, 1]} : vector<8x128x128xf32> to vector<8x8x128xf32>
    %add3A_71 = arith.addf %add3A_69, %slice3A_70 : vector<8x8x128xf32>
    %slice3A_72 = vector.extract_strided_slice %transpose3A_62 {offsets = [0, 40, 0], sizes = [8, 8, 128], strides = [1, 1, 1]} : vector<8x128x128xf32> to vector<8x8x128xf32>
    %add3A_73 = arith.addf %add3A_71, %slice3A_72 : vector<8x8x128xf32>
    %slice3A_74 = vector.extract_strided_slice %transpose3A_62 {offsets = [0, 48, 0], sizes = [8, 8, 128], strides = [1, 1, 1]} : vector<8x128x128xf32> to vector<8x8x128xf32>
    %add3A_75 = arith.addf %add3A_73, %slice3A_74 : vector<8x8x128xf32>
    %slice3A_76 = vector.extract_strided_slice %transpose3A_62 {offsets = [0, 56, 0], sizes = [8, 8, 128], strides = [1, 1, 1]} : vector<8x128x128xf32> to vector<8x8x128xf32>
    %add3A_77 = arith.addf %add3A_75, %slice3A_76 : vector<8x8x128xf32>
    %slice3A_78 = vector.extract_strided_slice %transpose3A_62 {offsets = [0, 64, 0], sizes = [8, 8, 128], strides = [1, 1, 1]} : vector<8x128x128xf32> to vector<8x8x128xf32>
    %add3A_79 = arith.addf %add3A_77, %slice3A_78 : vector<8x8x128xf32>
    %slice3A_80 = vector.extract_strided_slice %transpose3A_62 {offsets = [0, 72, 0], sizes = [8, 8, 128], strides = [1, 1, 1]} : vector<8x128x128xf32> to vector<8x8x128xf32>
    %add3A_81 = arith.addf %add3A_79, %slice3A_80 : vector<8x8x128xf32>
    %slice3A_82 = vector.extract_strided_slice %transpose3A_62 {offsets = [0, 80, 0], sizes = [8, 8, 128], strides = [1, 1, 1]} : vector<8x128x128xf32> to vector<8x8x128xf32>
    %add3A_83 = arith.addf %add3A_81, %slice3A_82 : vector<8x8x128xf32>
    %slice3A_84 = vector.extract_strided_slice %transpose3A_62 {offsets = [0, 88, 0], sizes = [8, 8, 128], strides = [1, 1, 1]} : vector<8x128x128xf32> to vector<8x8x128xf32>
    %add3A_85 = arith.addf %add3A_83, %slice3A_84 : vector<8x8x128xf32>
    %slice3A_86 = vector.extract_strided_slice %transpose3A_62 {offsets = [0, 96, 0], sizes = [8, 8, 128], strides = [1, 1, 1]} : vector<8x128x128xf32> to vector<8x8x128xf32>
    %add3A_87 = arith.addf %add3A_85, %slice3A_86 : vector<8x8x128xf32>
    %slice3A_88 = vector.extract_strided_slice %transpose3A_62 {offsets = [0, 104, 0], sizes = [8, 8, 128], strides = [1, 1, 1]} : vector<8x128x128xf32> to vector<8x8x128xf32>
    %add3A_89 = arith.addf %add3A_87, %slice3A_88 : vector<8x8x128xf32>
    %slice3A_90 = vector.extract_strided_slice %transpose3A_62 {offsets = [0, 112, 0], sizes = [8, 8, 128], strides = [1, 1, 1]} : vector<8x128x128xf32> to vector<8x8x128xf32>
    %add3A_91 = arith.addf %add3A_89, %slice3A_90 : vector<8x8x128xf32>
    %slice3A_92 = vector.extract_strided_slice %transpose3A_62 {offsets = [0, 120, 0], sizes = [8, 8, 128], strides = [1, 1, 1]} : vector<8x128x128xf32> to vector<8x8x128xf32>
    %add3A_93 = arith.addf %add3A_91, %slice3A_92 : vector<8x8x128xf32>
    %add3A_94 = arith.addf %add3A_60, %add3A_93 : vector<8x8x128xf32>
    %slice3A_95 = vector.extract_strided_slice %add3A_94 {offsets = [0, 0, 0], sizes = [8, 1, 128], strides = [1, 1, 1]} : vector<8x8x128xf32> to vector<8x1x128xf32>
    %squeeze3A = vector.shape_cast %slice3A_95 : vector<8x1x128xf32> to vector<8x128xf32>
    %slice3A_96 = vector.extract_strided_slice %add3A_94 {offsets = [0, 1, 0], sizes = [8, 1, 128], strides = [1, 1, 1]} : vector<8x8x128xf32> to vector<8x1x128xf32>
    %squeeze3A_97 = vector.shape_cast %slice3A_96 : vector<8x1x128xf32> to vector<8x128xf32>
    %slice3A_98 = vector.extract_strided_slice %add3A_94 {offsets = [0, 2, 0], sizes = [8, 1, 128], strides = [1, 1, 1]} : vector<8x8x128xf32> to vector<8x1x128xf32>
    %squeeze3A_99 = vector.shape_cast %slice3A_98 : vector<8x1x128xf32> to vector<8x128xf32>
    %slice3A_100 = vector.extract_strided_slice %add3A_94 {offsets = [0, 3, 0], sizes = [8, 1, 128], strides = [1, 1, 1]} : vector<8x8x128xf32> to vector<8x1x128xf32>
    %squeeze3A_101 = vector.shape_cast %slice3A_100 : vector<8x1x128xf32> to vector<8x128xf32>
    %slice3A_102 = vector.extract_strided_slice %add3A_94 {offsets = [0, 4, 0], sizes = [8, 1, 128], strides = [1, 1, 1]} : vector<8x8x128xf32> to vector<8x1x128xf32>
    %squeeze3A_103 = vector.shape_cast %slice3A_102 : vector<8x1x128xf32> to vector<8x128xf32>
    %slice3A_104 = vector.extract_strided_slice %add3A_94 {offsets = [0, 5, 0], sizes = [8, 1, 128], strides = [1, 1, 1]} : vector<8x8x128xf32> to vector<8x1x128xf32>
    %squeeze3A_105 = vector.shape_cast %slice3A_104 : vector<8x1x128xf32> to vector<8x128xf32>
    %slice3A_106 = vector.extract_strided_slice %add3A_94 {offsets = [0, 6, 0], sizes = [8, 1, 128], strides = [1, 1, 1]} : vector<8x8x128xf32> to vector<8x1x128xf32>
    %squeeze3A_107 = vector.shape_cast %slice3A_106 : vector<8x1x128xf32> to vector<8x128xf32>
    %slice3A_108 = vector.extract_strided_slice %add3A_94 {offsets = [0, 7, 0], sizes = [8, 1, 128], strides = [1, 1, 1]} : vector<8x8x128xf32> to vector<8x1x128xf32>
    %squeeze3A_109 = vector.shape_cast %slice3A_108 : vector<8x1x128xf32> to vector<8x128xf32>
    %add3A_110 = arith.addf %squeeze3A, %squeeze3A_103 : vector<8x128xf32>
    %add3A_111 = arith.addf %squeeze3A_99, %squeeze3A_107 : vector<8x128xf32>
    %add3A_112 = arith.addf %add3A_110, %add3A_111 : vector<8x128xf32>
    %add3A_113 = arith.addf %squeeze3A_97, %squeeze3A_105 : vector<8x128xf32>
    %add3A_114 = arith.addf %squeeze3A_101, %squeeze3A_109 : vector<8x128xf32>
    %add3A_115 = arith.addf %add3A_113, %add3A_114 : vector<8x128xf32>
    %add3A_116 = arith.addf %add3A_112, %add3A_115 : vector<8x128xf32>
    %reshape3A_117 = vector.shape_cast %add3A_116 : vector<8x128xf32> to vector<8x1x128xf32>
    %broadcast_in_dim3A = vector.shape_cast %reshape3A_117 : vector<8x1x128xf32> to vector<8x1x128xf32>
    %broadcast_in_dim3A_118 = vector.broadcast %broadcast_in_dim3A : vector<8x1x128xf32> to vector<8x128x128xf32>
    %transpose3A_119 = tpu.transpose %broadcast_in_dim3A_118, [0, 2, 1] : vector<8x128x128xf32> -> vector<8x128x128xf32>
    %slice3A_120 = vector.extract_strided_slice %transpose3A_119 {offsets = [0, 0, 0], sizes = [8, 128, 1], strides = [1, 1, 1]} : vector<8x128x128xf32> to vector<8x128x1xf32>
    %reshape3A_121 = vector.shape_cast %slice3A_120 : vector<8x128x1xf32> to vector<1024x1xf32>
    %sqrt3A = math.sqrt %reshape3A_121 : vector<1024x1xf32>
    %add3A_122 = arith.constant 9.99999996E-13 : f32
    %add3A_123 = vector.broadcast %add3A_122 : f32 to vector<1024x1xf32>
    %add3A_124 = arith.addf %sqrt3A, %add3A_123 : vector<1024x1xf32>
    %div3A = vector.broadcast %add3A_124 : vector<1024x1xf32> to vector<1024x2048xf32>
    %div3A_125 = arith.divf %get3A_1, %div3A : vector<1024x2048xf32>
    %get3A_126 = arith.constant 0 : index
    %get3A_127 = arith.constant 0 : index
    %get3A_128 = vector.load %arg2[%get3A_126, %get3A_127] : memref<2048x50xf32, #tpu.memory_space<vmem>>, vector<2048x50xf32>
    %dot_general3A = arith.constant dense<0.000000e+00> : vector<1024x50xf32>
    %dot_general3A_129 = tpu.matmul %div3A_125, %get3A_128, %dot_general3A {dimension_numbers = #tpu.dot_dimension_numbers<[1], [0], [0], [1], [0, 0, 1, 1], [], []>, transpose_lhs_hint = false} : vector<1024x2048xf32>, vector<2048x50xf32>, vector<1024x50xf32> -> vector<1024x50xf32>
    %swap3A = arith.constant 0 : index
    %swap3A_130 = arith.constant 0 : index
    %swap3A_131 = vector.load %arg3[%swap3A, %swap3A_130] : memref<1024x50xf32, #tpu.memory_space<vmem>>, vector<1024x50xf32>
    tpu.vector_store %arg3[%swap3A, %swap3A_130], %dot_general3A_129 {strides = array<i32>} : memref<1024x50xf32, #tpu.memory_space<vmem>>, vector<1024x50xf32>,
    %reduce_max3A = arith.constant dense<0xFF800000> : vector<1024xf32>
    %reduce_max3A_132 = vector.multi_reduction <maximumf>, %dot_general3A_129, %reduce_max3A [1] : vector<1024x50xf32> to vector<1024xf32>
    %broadcast_in_dim3A_133 = vector.shape_cast %reduce_max3A_132 : vector<1024xf32> to vector<1024x1xf32>
    %swap3A_134 = arith.constant 0 : index
    %swap3A_135 = arith.constant 0 : index
    %swap3A_136 = vector.load %arg4[%swap3A_134, %swap3A_135] : memref<1024x1xf32, #tpu.memory_space<vmem>>, vector<1024x1xf32>
    tpu.vector_store %arg4[%swap3A_134, %swap3A_135], %broadcast_in_dim3A_133 {strides = array<i32>} : memref<1024x1xf32, #tpu.memory_space<vmem>>, vector<1024x1xf32>,
    %argmax3A = tpu.reduce_index %dot_general3A_129 {axis = 1 : i32, kind = #tpu.reduction_kind<arg_max>} : vector<1024x50xf32> -> vector<1024xi32>
    %broadcast_in_dim3A_137 = vector.shape_cast %argmax3A : vector<1024xi32> to vector<1024x1xi32>
    %swap3A_138 = arith.constant 0 : index
    %swap3A_139 = arith.constant 0 : index
    %swap3A_140 = vector.load %arg5[%swap3A_138, %swap3A_139] : memref<1024x1xi32, #tpu.memory_space<vmem>>, vector<1024x1xi32>
    tpu.vector_store %arg5[%swap3A_138, %swap3A_139], %broadcast_in_dim3A_137 {strides = array<i32>} : memref<1024x1xi32, #tpu.memory_space<vmem>>, vector<1024x1xi32>,
    return
  }
  func.func @transform_0(%arg0: i32) -> (i32, i32) {
    %c0_i32 = arith.constant 0 : i32
    %c0_i32_0 = arith.constant 0 : i32
    return %arg0, %c0_i32 : i32, i32
  }
  func.func @transform_1(%arg0: i32) -> (i32, i32) {
    %c0_i32 = arith.constant 0 : i32
    %c0_i32_0 = arith.constant 0 : i32
    %c0_i32_1 = arith.constant 0 : i32
    return %c0_i32, %c0_i32_0 : i32, i32
  }
  func.func @transform_2(%arg0: i32) -> (i32, i32) {
    %c0_i32 = arith.constant 0 : i32
    %c0_i32_0 = arith.constant 0 : i32
    return %arg0, %c0_i32 : i32, i32
  }
  func.func @transform_3(%arg0: i32) -> (i32, i32) {
    %c0_i32 = arith.constant 0 : i32
    %c0_i32_0 = arith.constant 0 : i32
    return %arg0, %c0_i32 : i32, i32
  }
  func.func @transform_4(%arg0: i32) -> (i32, i32) {
    %c0_i32 = arith.constant 0 : i32
    %c0_i32_0 = arith.constant 0 : i32
    return %arg0, %c0_i32 : i32, i32
  }
}

module attributes {stable_mosaic.version = 14 : i64} {
  func.func @_proto_kernel(%arg0: memref<50x512xf32, #tpu.memory_space<vmem>>, %arg1: memref<512x1024xf32, #tpu.memory_space<vmem>>, %arg2: memref<1x1024xf32, #tpu.memory_space<vmem>>, %arg3: memref<1024x2048xf32, #tpu.memory_space<vmem>>, %arg4: memref<1x2048xf32, #tpu.memory_space<vmem>>, %arg5: memref<50x2048xf32, #tpu.memory_space<vmem>>) attributes {dimension_semantics = [], scalar_prefetch = 0 : i64, scratch_operands = 0 : i64, tpu.core_type = #tpu.core_type<tc>} {
    %get3A = arith.constant 0 : index
    %get3A_0 = arith.constant 0 : index
    %get3A_1 = vector.load %arg0[%get3A, %get3A_0] : memref<50x512xf32, #tpu.memory_space<vmem>>, vector<50x512xf32>
    %get3A_2 = arith.constant 0 : index
    %get3A_3 = arith.constant 0 : index
    %get3A_4 = vector.load %arg1[%get3A_2, %get3A_3] : memref<512x1024xf32, #tpu.memory_space<vmem>>, vector<512x1024xf32>
    %dot_general3A = arith.constant dense<0.000000e+00> : vector<50x1024xf32>
    %dot_general3A_5 = tpu.matmul %get3A_1, %get3A_4, %dot_general3A {dimension_numbers = #tpu.dot_dimension_numbers<[1], [0], [0], [1], [0, 0, 1, 1], [], []>, transpose_lhs_hint = false} : vector<50x512xf32>, vector<512x1024xf32>, vector<50x1024xf32> -> vector<50x1024xf32>
    %get3A_6 = arith.constant 0 : index
    %get3A_7 = arith.constant 0 : index
    %get3A_8 = vector.load %arg2[%get3A_6, %get3A_7] : memref<1x1024xf32, #tpu.memory_space<vmem>>, vector<1x1024xf32>
    %add3A = vector.broadcast %get3A_8 : vector<1x1024xf32> to vector<50x1024xf32>
    %add3A_9 = arith.addf %dot_general3A_5, %add3A : vector<50x1024xf32>
    %max3A = arith.constant 0.000000e+00 : f32
    %max3A_10 = vector.broadcast %max3A : f32 to vector<50x1024xf32>
    %max3A_11 = arith.maximumf %add3A_9, %max3A_10 : vector<50x1024xf32>
    %get3A_12 = arith.constant 0 : index
    %get3A_13 = arith.constant 0 : index
    %get3A_14 = vector.load %arg3[%get3A_12, %get3A_13] : memref<1024x2048xf32, #tpu.memory_space<vmem>>, vector<1024x2048xf32>
    %dot_general3A_15 = arith.constant dense<0.000000e+00> : vector<50x2048xf32>
    %dot_general3A_16 = tpu.matmul %max3A_11, %get3A_14, %dot_general3A_15 {dimension_numbers = #tpu.dot_dimension_numbers<[1], [0], [0], [1], [0, 0, 1, 1], [], []>, transpose_lhs_hint = false} : vector<50x1024xf32>, vector<1024x2048xf32>, vector<50x2048xf32> -> vector<50x2048xf32>
    %get3A_17 = arith.constant 0 : index
    %get3A_18 = arith.constant 0 : index
    %get3A_19 = vector.load %arg4[%get3A_17, %get3A_18] : memref<1x2048xf32, #tpu.memory_space<vmem>>, vector<1x2048xf32>
    %add3A_20 = vector.broadcast %get3A_19 : vector<1x2048xf32> to vector<50x2048xf32>
    %add3A_21 = arith.addf %dot_general3A_16, %add3A_20 : vector<50x2048xf32>
    %max3A_22 = arith.constant 0.000000e+00 : f32
    %max3A_23 = vector.broadcast %max3A_22 : f32 to vector<50x2048xf32>
    %max3A_24 = arith.maximumf %add3A_21, %max3A_23 : vector<50x2048xf32>
    %broadcast_in_dim3A = arith.constant 0.000000e+00 : f32
    %broadcast_in_dim3A_25 = vector.broadcast %broadcast_in_dim3A : f32 to vector<78x2048xf32>
    %concatenate3A = tpu.concatenate %max3A_24, %broadcast_in_dim3A_25 in 0 : vector<50x2048xf32>, vector<78x2048xf32> -> vector<128x2048xf32>
    %mul3A = arith.mulf %concatenate3A, %concatenate3A : vector<128x2048xf32>
    %slice3A = vector.extract_strided_slice %mul3A {offsets = [0, 0], sizes = [128, 128], strides = [1, 1]} : vector<128x2048xf32> to vector<128x128xf32>
    %slice3A_26 = vector.extract_strided_slice %mul3A {offsets = [0, 128], sizes = [128, 128], strides = [1, 1]} : vector<128x2048xf32> to vector<128x128xf32>
    %slice3A_27 = vector.extract_strided_slice %mul3A {offsets = [0, 256], sizes = [128, 128], strides = [1, 1]} : vector<128x2048xf32> to vector<128x128xf32>
    %slice3A_28 = vector.extract_strided_slice %mul3A {offsets = [0, 384], sizes = [128, 128], strides = [1, 1]} : vector<128x2048xf32> to vector<128x128xf32>
    %slice3A_29 = vector.extract_strided_slice %mul3A {offsets = [0, 512], sizes = [128, 128], strides = [1, 1]} : vector<128x2048xf32> to vector<128x128xf32>
    %slice3A_30 = vector.extract_strided_slice %mul3A {offsets = [0, 640], sizes = [128, 128], strides = [1, 1]} : vector<128x2048xf32> to vector<128x128xf32>
    %slice3A_31 = vector.extract_strided_slice %mul3A {offsets = [0, 768], sizes = [128, 128], strides = [1, 1]} : vector<128x2048xf32> to vector<128x128xf32>
    %slice3A_32 = vector.extract_strided_slice %mul3A {offsets = [0, 896], sizes = [128, 128], strides = [1, 1]} : vector<128x2048xf32> to vector<128x128xf32>
    %slice3A_33 = vector.extract_strided_slice %mul3A {offsets = [0, 1024], sizes = [128, 128], strides = [1, 1]} : vector<128x2048xf32> to vector<128x128xf32>
    %slice3A_34 = vector.extract_strided_slice %mul3A {offsets = [0, 1152], sizes = [128, 128], strides = [1, 1]} : vector<128x2048xf32> to vector<128x128xf32>
    %slice3A_35 = vector.extract_strided_slice %mul3A {offsets = [0, 1280], sizes = [128, 128], strides = [1, 1]} : vector<128x2048xf32> to vector<128x128xf32>
    %slice3A_36 = vector.extract_strided_slice %mul3A {offsets = [0, 1408], sizes = [128, 128], strides = [1, 1]} : vector<128x2048xf32> to vector<128x128xf32>
    %slice3A_37 = vector.extract_strided_slice %mul3A {offsets = [0, 1536], sizes = [128, 128], strides = [1, 1]} : vector<128x2048xf32> to vector<128x128xf32>
    %slice3A_38 = vector.extract_strided_slice %mul3A {offsets = [0, 1664], sizes = [128, 128], strides = [1, 1]} : vector<128x2048xf32> to vector<128x128xf32>
    %slice3A_39 = vector.extract_strided_slice %mul3A {offsets = [0, 1792], sizes = [128, 128], strides = [1, 1]} : vector<128x2048xf32> to vector<128x128xf32>
    %slice3A_40 = vector.extract_strided_slice %mul3A {offsets = [0, 1920], sizes = [128, 128], strides = [1, 1]} : vector<128x2048xf32> to vector<128x128xf32>
    %add3A_41 = arith.addf %slice3A, %slice3A_26 : vector<128x128xf32>
    %add3A_42 = arith.addf %add3A_41, %slice3A_27 : vector<128x128xf32>
    %add3A_43 = arith.addf %add3A_42, %slice3A_28 : vector<128x128xf32>
    %add3A_44 = arith.addf %add3A_43, %slice3A_29 : vector<128x128xf32>
    %add3A_45 = arith.addf %add3A_44, %slice3A_30 : vector<128x128xf32>
    %add3A_46 = arith.addf %add3A_45, %slice3A_31 : vector<128x128xf32>
    %add3A_47 = arith.addf %add3A_46, %slice3A_32 : vector<128x128xf32>
    %add3A_48 = arith.addf %slice3A_33, %slice3A_34 : vector<128x128xf32>
    %add3A_49 = arith.addf %add3A_48, %slice3A_35 : vector<128x128xf32>
    %add3A_50 = arith.addf %add3A_49, %slice3A_36 : vector<128x128xf32>
    %add3A_51 = arith.addf %add3A_50, %slice3A_37 : vector<128x128xf32>
    %add3A_52 = arith.addf %add3A_51, %slice3A_38 : vector<128x128xf32>
    %add3A_53 = arith.addf %add3A_52, %slice3A_39 : vector<128x128xf32>
    %add3A_54 = arith.addf %add3A_53, %slice3A_40 : vector<128x128xf32>
    %reshape3A = vector.shape_cast %add3A_47 : vector<128x128xf32> to vector<1x128x128xf32>
    %transpose3A = tpu.transpose %reshape3A, [0, 2, 1] : vector<1x128x128xf32> -> vector<1x128x128xf32>
    %slice3A_55 = vector.extract_strided_slice %transpose3A {offsets = [0, 0, 0], sizes = [1, 8, 128], strides = [1, 1, 1]} : vector<1x128x128xf32> to vector<1x8x128xf32>
    %slice3A_56 = vector.extract_strided_slice %transpose3A {offsets = [0, 8, 0], sizes = [1, 8, 128], strides = [1, 1, 1]} : vector<1x128x128xf32> to vector<1x8x128xf32>
    %add3A_57 = arith.addf %slice3A_55, %slice3A_56 : vector<1x8x128xf32>
    %slice3A_58 = vector.extract_strided_slice %transpose3A {offsets = [0, 16, 0], sizes = [1, 8, 128], strides = [1, 1, 1]} : vector<1x128x128xf32> to vector<1x8x128xf32>
    %add3A_59 = arith.addf %add3A_57, %slice3A_58 : vector<1x8x128xf32>
    %slice3A_60 = vector.extract_strided_slice %transpose3A {offsets = [0, 24, 0], sizes = [1, 8, 128], strides = [1, 1, 1]} : vector<1x128x128xf32> to vector<1x8x128xf32>
    %add3A_61 = arith.addf %add3A_59, %slice3A_60 : vector<1x8x128xf32>
    %slice3A_62 = vector.extract_strided_slice %transpose3A {offsets = [0, 32, 0], sizes = [1, 8, 128], strides = [1, 1, 1]} : vector<1x128x128xf32> to vector<1x8x128xf32>
    %add3A_63 = arith.addf %add3A_61, %slice3A_62 : vector<1x8x128xf32>
    %slice3A_64 = vector.extract_strided_slice %transpose3A {offsets = [0, 40, 0], sizes = [1, 8, 128], strides = [1, 1, 1]} : vector<1x128x128xf32> to vector<1x8x128xf32>
    %add3A_65 = arith.addf %add3A_63, %slice3A_64 : vector<1x8x128xf32>
    %slice3A_66 = vector.extract_strided_slice %transpose3A {offsets = [0, 48, 0], sizes = [1, 8, 128], strides = [1, 1, 1]} : vector<1x128x128xf32> to vector<1x8x128xf32>
    %add3A_67 = arith.addf %add3A_65, %slice3A_66 : vector<1x8x128xf32>
    %slice3A_68 = vector.extract_strided_slice %transpose3A {offsets = [0, 56, 0], sizes = [1, 8, 128], strides = [1, 1, 1]} : vector<1x128x128xf32> to vector<1x8x128xf32>
    %add3A_69 = arith.addf %add3A_67, %slice3A_68 : vector<1x8x128xf32>
    %slice3A_70 = vector.extract_strided_slice %transpose3A {offsets = [0, 64, 0], sizes = [1, 8, 128], strides = [1, 1, 1]} : vector<1x128x128xf32> to vector<1x8x128xf32>
    %add3A_71 = arith.addf %add3A_69, %slice3A_70 : vector<1x8x128xf32>
    %slice3A_72 = vector.extract_strided_slice %transpose3A {offsets = [0, 72, 0], sizes = [1, 8, 128], strides = [1, 1, 1]} : vector<1x128x128xf32> to vector<1x8x128xf32>
    %add3A_73 = arith.addf %add3A_71, %slice3A_72 : vector<1x8x128xf32>
    %slice3A_74 = vector.extract_strided_slice %transpose3A {offsets = [0, 80, 0], sizes = [1, 8, 128], strides = [1, 1, 1]} : vector<1x128x128xf32> to vector<1x8x128xf32>
    %add3A_75 = arith.addf %add3A_73, %slice3A_74 : vector<1x8x128xf32>
    %slice3A_76 = vector.extract_strided_slice %transpose3A {offsets = [0, 88, 0], sizes = [1, 8, 128], strides = [1, 1, 1]} : vector<1x128x128xf32> to vector<1x8x128xf32>
    %add3A_77 = arith.addf %add3A_75, %slice3A_76 : vector<1x8x128xf32>
    %slice3A_78 = vector.extract_strided_slice %transpose3A {offsets = [0, 96, 0], sizes = [1, 8, 128], strides = [1, 1, 1]} : vector<1x128x128xf32> to vector<1x8x128xf32>
    %add3A_79 = arith.addf %add3A_77, %slice3A_78 : vector<1x8x128xf32>
    %slice3A_80 = vector.extract_strided_slice %transpose3A {offsets = [0, 104, 0], sizes = [1, 8, 128], strides = [1, 1, 1]} : vector<1x128x128xf32> to vector<1x8x128xf32>
    %add3A_81 = arith.addf %add3A_79, %slice3A_80 : vector<1x8x128xf32>
    %slice3A_82 = vector.extract_strided_slice %transpose3A {offsets = [0, 112, 0], sizes = [1, 8, 128], strides = [1, 1, 1]} : vector<1x128x128xf32> to vector<1x8x128xf32>
    %add3A_83 = arith.addf %add3A_81, %slice3A_82 : vector<1x8x128xf32>
    %slice3A_84 = vector.extract_strided_slice %transpose3A {offsets = [0, 120, 0], sizes = [1, 8, 128], strides = [1, 1, 1]} : vector<1x128x128xf32> to vector<1x8x128xf32>
    %add3A_85 = arith.addf %add3A_83, %slice3A_84 : vector<1x8x128xf32>
    %reshape3A_86 = vector.shape_cast %add3A_54 : vector<128x128xf32> to vector<1x128x128xf32>
    %transpose3A_87 = tpu.transpose %reshape3A_86, [0, 2, 1] : vector<1x128x128xf32> -> vector<1x128x128xf32>
    %slice3A_88 = vector.extract_strided_slice %transpose3A_87 {offsets = [0, 0, 0], sizes = [1, 8, 128], strides = [1, 1, 1]} : vector<1x128x128xf32> to vector<1x8x128xf32>
    %slice3A_89 = vector.extract_strided_slice %transpose3A_87 {offsets = [0, 8, 0], sizes = [1, 8, 128], strides = [1, 1, 1]} : vector<1x128x128xf32> to vector<1x8x128xf32>
    %add3A_90 = arith.addf %slice3A_88, %slice3A_89 : vector<1x8x128xf32>
    %slice3A_91 = vector.extract_strided_slice %transpose3A_87 {offsets = [0, 16, 0], sizes = [1, 8, 128], strides = [1, 1, 1]} : vector<1x128x128xf32> to vector<1x8x128xf32>
    %add3A_92 = arith.addf %add3A_90, %slice3A_91 : vector<1x8x128xf32>
    %slice3A_93 = vector.extract_strided_slice %transpose3A_87 {offsets = [0, 24, 0], sizes = [1, 8, 128], strides = [1, 1, 1]} : vector<1x128x128xf32> to vector<1x8x128xf32>
    %add3A_94 = arith.addf %add3A_92, %slice3A_93 : vector<1x8x128xf32>
    %slice3A_95 = vector.extract_strided_slice %transpose3A_87 {offsets = [0, 32, 0], sizes = [1, 8, 128], strides = [1, 1, 1]} : vector<1x128x128xf32> to vector<1x8x128xf32>
    %add3A_96 = arith.addf %add3A_94, %slice3A_95 : vector<1x8x128xf32>
    %slice3A_97 = vector.extract_strided_slice %transpose3A_87 {offsets = [0, 40, 0], sizes = [1, 8, 128], strides = [1, 1, 1]} : vector<1x128x128xf32> to vector<1x8x128xf32>
    %add3A_98 = arith.addf %add3A_96, %slice3A_97 : vector<1x8x128xf32>
    %slice3A_99 = vector.extract_strided_slice %transpose3A_87 {offsets = [0, 48, 0], sizes = [1, 8, 128], strides = [1, 1, 1]} : vector<1x128x128xf32> to vector<1x8x128xf32>
    %add3A_100 = arith.addf %add3A_98, %slice3A_99 : vector<1x8x128xf32>
    %slice3A_101 = vector.extract_strided_slice %transpose3A_87 {offsets = [0, 56, 0], sizes = [1, 8, 128], strides = [1, 1, 1]} : vector<1x128x128xf32> to vector<1x8x128xf32>
    %add3A_102 = arith.addf %add3A_100, %slice3A_101 : vector<1x8x128xf32>
    %slice3A_103 = vector.extract_strided_slice %transpose3A_87 {offsets = [0, 64, 0], sizes = [1, 8, 128], strides = [1, 1, 1]} : vector<1x128x128xf32> to vector<1x8x128xf32>
    %add3A_104 = arith.addf %add3A_102, %slice3A_103 : vector<1x8x128xf32>
    %slice3A_105 = vector.extract_strided_slice %transpose3A_87 {offsets = [0, 72, 0], sizes = [1, 8, 128], strides = [1, 1, 1]} : vector<1x128x128xf32> to vector<1x8x128xf32>
    %add3A_106 = arith.addf %add3A_104, %slice3A_105 : vector<1x8x128xf32>
    %slice3A_107 = vector.extract_strided_slice %transpose3A_87 {offsets = [0, 80, 0], sizes = [1, 8, 128], strides = [1, 1, 1]} : vector<1x128x128xf32> to vector<1x8x128xf32>
    %add3A_108 = arith.addf %add3A_106, %slice3A_107 : vector<1x8x128xf32>
    %slice3A_109 = vector.extract_strided_slice %transpose3A_87 {offsets = [0, 88, 0], sizes = [1, 8, 128], strides = [1, 1, 1]} : vector<1x128x128xf32> to vector<1x8x128xf32>
    %add3A_110 = arith.addf %add3A_108, %slice3A_109 : vector<1x8x128xf32>
    %slice3A_111 = vector.extract_strided_slice %transpose3A_87 {offsets = [0, 96, 0], sizes = [1, 8, 128], strides = [1, 1, 1]} : vector<1x128x128xf32> to vector<1x8x128xf32>
    %add3A_112 = arith.addf %add3A_110, %slice3A_111 : vector<1x8x128xf32>
    %slice3A_113 = vector.extract_strided_slice %transpose3A_87 {offsets = [0, 104, 0], sizes = [1, 8, 128], strides = [1, 1, 1]} : vector<1x128x128xf32> to vector<1x8x128xf32>
    %add3A_114 = arith.addf %add3A_112, %slice3A_113 : vector<1x8x128xf32>
    %slice3A_115 = vector.extract_strided_slice %transpose3A_87 {offsets = [0, 112, 0], sizes = [1, 8, 128], strides = [1, 1, 1]} : vector<1x128x128xf32> to vector<1x8x128xf32>
    %add3A_116 = arith.addf %add3A_114, %slice3A_115 : vector<1x8x128xf32>
    %slice3A_117 = vector.extract_strided_slice %transpose3A_87 {offsets = [0, 120, 0], sizes = [1, 8, 128], strides = [1, 1, 1]} : vector<1x128x128xf32> to vector<1x8x128xf32>
    %add3A_118 = arith.addf %add3A_116, %slice3A_117 : vector<1x8x128xf32>
    %add3A_119 = arith.addf %add3A_85, %add3A_118 : vector<1x8x128xf32>
    %slice3A_120 = vector.extract_strided_slice %add3A_119 {offsets = [0, 0, 0], sizes = [1, 1, 128], strides = [1, 1, 1]} : vector<1x8x128xf32> to vector<1x1x128xf32>
    %squeeze3A = vector.shape_cast %slice3A_120 : vector<1x1x128xf32> to vector<1x128xf32>
    %slice3A_121 = vector.extract_strided_slice %add3A_119 {offsets = [0, 1, 0], sizes = [1, 1, 128], strides = [1, 1, 1]} : vector<1x8x128xf32> to vector<1x1x128xf32>
    %squeeze3A_122 = vector.shape_cast %slice3A_121 : vector<1x1x128xf32> to vector<1x128xf32>
    %slice3A_123 = vector.extract_strided_slice %add3A_119 {offsets = [0, 2, 0], sizes = [1, 1, 128], strides = [1, 1, 1]} : vector<1x8x128xf32> to vector<1x1x128xf32>
    %squeeze3A_124 = vector.shape_cast %slice3A_123 : vector<1x1x128xf32> to vector<1x128xf32>
    %slice3A_125 = vector.extract_strided_slice %add3A_119 {offsets = [0, 3, 0], sizes = [1, 1, 128], strides = [1, 1, 1]} : vector<1x8x128xf32> to vector<1x1x128xf32>
    %squeeze3A_126 = vector.shape_cast %slice3A_125 : vector<1x1x128xf32> to vector<1x128xf32>
    %slice3A_127 = vector.extract_strided_slice %add3A_119 {offsets = [0, 4, 0], sizes = [1, 1, 128], strides = [1, 1, 1]} : vector<1x8x128xf32> to vector<1x1x128xf32>
    %squeeze3A_128 = vector.shape_cast %slice3A_127 : vector<1x1x128xf32> to vector<1x128xf32>
    %slice3A_129 = vector.extract_strided_slice %add3A_119 {offsets = [0, 5, 0], sizes = [1, 1, 128], strides = [1, 1, 1]} : vector<1x8x128xf32> to vector<1x1x128xf32>
    %squeeze3A_130 = vector.shape_cast %slice3A_129 : vector<1x1x128xf32> to vector<1x128xf32>
    %slice3A_131 = vector.extract_strided_slice %add3A_119 {offsets = [0, 6, 0], sizes = [1, 1, 128], strides = [1, 1, 1]} : vector<1x8x128xf32> to vector<1x1x128xf32>
    %squeeze3A_132 = vector.shape_cast %slice3A_131 : vector<1x1x128xf32> to vector<1x128xf32>
    %slice3A_133 = vector.extract_strided_slice %add3A_119 {offsets = [0, 7, 0], sizes = [1, 1, 128], strides = [1, 1, 1]} : vector<1x8x128xf32> to vector<1x1x128xf32>
    %squeeze3A_134 = vector.shape_cast %slice3A_133 : vector<1x1x128xf32> to vector<1x128xf32>
    %add3A_135 = arith.addf %squeeze3A, %squeeze3A_128 : vector<1x128xf32>
    %add3A_136 = arith.addf %squeeze3A_124, %squeeze3A_132 : vector<1x128xf32>
    %add3A_137 = arith.addf %add3A_135, %add3A_136 : vector<1x128xf32>
    %add3A_138 = arith.addf %squeeze3A_122, %squeeze3A_130 : vector<1x128xf32>
    %add3A_139 = arith.addf %squeeze3A_126, %squeeze3A_134 : vector<1x128xf32>
    %add3A_140 = arith.addf %add3A_138, %add3A_139 : vector<1x128xf32>
    %add3A_141 = arith.addf %add3A_137, %add3A_140 : vector<1x128xf32>
    %reshape3A_142 = vector.shape_cast %add3A_141 : vector<1x128xf32> to vector<1x1x128xf32>
    %broadcast_in_dim3A_143 = vector.shape_cast %reshape3A_142 : vector<1x1x128xf32> to vector<1x1x128xf32>
    %broadcast_in_dim3A_144 = vector.broadcast %broadcast_in_dim3A_143 : vector<1x1x128xf32> to vector<1x128x128xf32>
    %transpose3A_145 = tpu.transpose %broadcast_in_dim3A_144, [0, 2, 1] : vector<1x128x128xf32> -> vector<1x128x128xf32>
    %slice3A_146 = vector.extract_strided_slice %transpose3A_145 {offsets = [0, 0, 0], sizes = [1, 128, 1], strides = [1, 1, 1]} : vector<1x128x128xf32> to vector<1x128x1xf32>
    %reshape3A_147 = vector.shape_cast %slice3A_146 : vector<1x128x1xf32> to vector<128x1xf32>
    %slice3A_148 = vector.extract_strided_slice %reshape3A_147 {offsets = [0, 0], sizes = [50, 1], strides = [1, 1]} : vector<128x1xf32> to vector<50x1xf32>
    %sqrt3A = math.sqrt %slice3A_148 : vector<50x1xf32>
    %add3A_149 = arith.constant 9.99999996E-13 : f32
    %add3A_150 = vector.broadcast %add3A_149 : f32 to vector<50x1xf32>
    %add3A_151 = arith.addf %sqrt3A, %add3A_150 : vector<50x1xf32>
    %div3A = vector.broadcast %add3A_151 : vector<50x1xf32> to vector<50x2048xf32>
    %div3A_152 = arith.divf %max3A_24, %div3A : vector<50x2048xf32>
    %swap3A = arith.constant 0 : index
    %swap3A_153 = arith.constant 0 : index
    %swap3A_154 = vector.load %arg5[%swap3A, %swap3A_153] : memref<50x2048xf32, #tpu.memory_space<vmem>>, vector<50x2048xf32>
    tpu.vector_store %arg5[%swap3A, %swap3A_153], %div3A_152 {strides = array<i32>} : memref<50x2048xf32, #tpu.memory_space<vmem>>, vector<50x2048xf32>,
    return
  }
}

module attributes {stable_mosaic.version = 14 : i64} {
  func.func @_gather_kernel(%arg0: i32, %arg1: memref<5000xi32, #tpu.memory_space<smem>>, %arg2: memref<1x16x128xf32, #tpu.memory_space<vmem>>, %arg3: memref<1x16x128xf32, #tpu.memory_space<vmem>>) attributes {dimension_semantics = [#tpu.dimension_semantics<arbitrary>], iteration_bounds = array<i64: 5000>, scalar_prefetch = 1 : i64, scratch_operands = 0 : i64, tpu.core_type = #tpu.core_type<tc>, window_params = [{transform_indices = @transform_0, window_bounds = array<i64: 1, 16, 128>}, {transform_indices = @transform_1, window_bounds = array<i64: 1, 16, 128>}]} {
    %get3A = arith.constant 0 : index
    %get3A_0 = arith.constant 0 : index
    %get3A_1 = arith.constant 0 : index
    %get3A_2 = vector.load %arg2[%get3A, %get3A_0, %get3A_1] : memref<1x16x128xf32, #tpu.memory_space<vmem>>, vector<1x16x128xf32>
    %swap3A = arith.constant 0 : index
    %swap3A_3 = arith.constant 0 : index
    %swap3A_4 = arith.constant 0 : index
    %swap3A_5 = vector.load %arg3[%swap3A, %swap3A_3, %swap3A_4] : memref<1x16x128xf32, #tpu.memory_space<vmem>>, vector<1x16x128xf32>
    tpu.vector_store %arg3[%swap3A, %swap3A_3, %swap3A_4], %get3A_2 {strides = array<i32>} : memref<1x16x128xf32, #tpu.memory_space<vmem>>, vector<1x16x128xf32>,
    return
  }
  func.func @transform_0(%arg0: i32, %arg1: memref<5000xi32, #tpu.memory_space<smem>>) -> (i32, i32, i32) {
    %get3A = arith.index_cast %arg0 : i32 to index
    %get3A_0 = memref.load %arg1[%get3A] : memref<5000xi32, #tpu.memory_space<smem>>
    %c0_i32 = arith.constant 0 : i32
    %c0_i32_1 = arith.constant 0 : i32
    %c0_i32_2 = arith.constant 0 : i32
    return %get3A_0, %c0_i32, %c0_i32_1 : i32, i32, i32
  }
  func.func @transform_1(%arg0: i32, %arg1: memref<5000xi32, #tpu.memory_space<smem>>) -> (i32, i32, i32) {
    %c0_i32 = arith.constant 0 : i32
    %c0_i32_0 = arith.constant 0 : i32
    %c0_i32_1 = arith.constant 0 : i32
    return %arg0, %c0_i32, %c0_i32_0 : i32, i32, i32
  }
}

</mosaic_0001>

<sc_bundles>
// kernel: sparse-core-data-format-call.1.cloned.1.call-start
scs
called_computation.1_lowered:
.L_overlay_start_0:
0x0: {  	s2 =	sld [smem:$0x3FD9]  }
0x1: {  	s3 =	sld [smem:$0x3FFE];
	_ =	sdelay $0x1  }
0x2: {  	s1 =	srdreg.scid  }
0x3: {  	s0 =	sand.u32 $0x1, s1  }
0x4: {  	s18 =	sshll.u32 s0, $0xA;
	s2 =	sadd.s32 s3, s2  }
0x5: {  	s2 =	sadd.s32 s2, s18  }
0x6: {  	[smem:$0x3FC2] =	sst s2  }
0x7: {  	_ = 	snop  }
0x8: {  	s2 =	sld [smem:$0x3FC9];
	(tm) =	ssettm $0x1  }
0x9: {  	s19 =	sld [smem:$0x3FFB];
	_ =	sdelay $0x3  }
0xa: {  	_ =	strace s19  }
0xb: {  	s3 =	sld [smem:$0x3FFC];
	_ =	sdelay $0x3  }
0xc: {  	_ =	strace s3  }
0xd: {  	s3 =	sld [smem:$0x3FFD];
	_ =	sdelay $0x3  }
0xe: {  	_ =	strace s3  }
0xf: {  	_ =	strace $0x8FFFFFFF  }
0x10: {  	s20 =	sld [smem:$0x3FDB];
	_ =	sdelay $0x1  }
0x11: {  	s4 =	simm.s32 $_scs_section_size  }
0x12: {  	s5 =	simm.s32 $_size__tile_overlayer_lowered;
	s6 =	simm.s32 $_tile_overlayer_lowered  }
0x13: {  	s23 =	simm.s32 $0x1BFF;
	s22 =	sshll.u32 s6, $0x1;
	s3 =	sadd.s32 s4, s20  }
0x14: {  	s7 =	simm.s32 $0x0;
	s21 =	sshll.u32 s5, $0x1;
	s5 =	sadd.s32 s22, s3  }
0x15: {  	[timem:s7], [sflag:s23] =	dma.local [hbm:s5], s21  }
0x16: {  	_ =	swait.ge [sflag:s23], s21  }
0x17: {  	s4 =	ssub.s32 $0x0, s21;
	[sflag:s23] =	ssyncset.done $0x0  }
0x18: {  	[sflag:s23] =	ssyncadd.s32 s4;
	_ =	sdelay $0x1  }
0x19: {  	s24 =	simm.s32 $0x1B8B  }
0x1a: {  	_ =	swait.ge [sflag:s24], $0x1  }
0x1b: {  	[sflag:s24] =	ssyncset.done $0x0  }
0x1c: {  	s26 =	simm.s32 $0x1B8E;
	s25 =	sld [smem:$0x3FFE];
	[sflag:s24] =	ssyncadd.s32 $0xFFFFFFFF  }
0x1d: {  	s27 =	simm.s32 $execute0_lowered;
	[smem:$0x3FD2] =	sst s26  }
0x1e: {  	s5 =	sshll.u32 s27, $0x1;
	_ =	strace $0x80000046;
	[dreg:$0x1] =	wrdreg $0xFFFFFFFF  }
0x1f: {  	s28 =	simm.s32 $_size_execute0_lowered;
	s3 =	sadd.s32 s3, s5;
	[dreg:$0x0] =	wrdreg $0x0  }
0x20: {  	s5 =	sshll.u32 s28, $0x1;
	[dreg:$0x2] =	wrdreg s3  }
0x21: {  	[dreg:$0x3] =	wrdreg s5  }
0x22: {  	[dreg:$0x4] =	wrdreg $0xC0  }
0x23: {  	_ =	task [dreg:s7], $0x5FFFF  }
0x24: {  	[dreg:$0x1] =	wrdreg $0xFFFFFFFF  }
0x25: {  	[dreg:$0x0] =	wrdreg $0x60  }
0x26: {  	[dreg:$0x2] =	wrdreg s2  }
0x27: {  	[dreg:$0x3] =	wrdreg s25  }
0x28: {  	[dreg:$0x4] =	wrdreg $0x9  }
0x29: {  	_ =	task.clear_ibuf [dreg:s7], $0x5FFFF;
	_ =	strace $0x90000046  }
0x2a: {  	s29 =	simm.s32 $0x9;
	_ =	strace $0x80000048  }
0x2b: {  	_ =	swait.ge [sflag:s29], $0x1  }
0x2c: {  	[sflag:s29] =	ssyncadd.s32 $0xFFFFFFFF  }
0x2d: {  	_ =	strace $0x90000048  }
0x2e: {  	_ =	sfence  }
0x2f: {  	s30 =	sld [smem:$0x0];
	_ =	sdelay $0x2  }
0x30: {  	s31 =	sshll.u32 s1, $0xD;
	s1 =	sshrl.u32 s1, $0x2  }
0x31: {  	s3 =	sand.u32 $0x4000, s31;
	s1 =	sadd.s32 s1, s30  }
0x32: {  	s0 =	sor.u32 s3, s0;
	s1 =	sshll.u32 s1, $0x11  }
0x33: {  	s0 =	sor.u32 s1, s0  }
0x34: {  	s0 =	sadd.s32 $0x8F2B, s0  }
0x35: {  	[sflag:s0] =	ssyncadd.remote.s32 $0x1  }
0x36: {  	_ =	sfence.sel $0xFFFF  }
0x37: {  	[dreg:$0x0] =	wrdreg $0xFFFFFFFF;
	(pc) =	sbr.abs _section_cstart, $3  }
0x38: {  	[dreg:$0x1] =	wrdreg $0xFFFFFFFF  }
0x39: {  	_ =	task.clear_ibuf [dreg:s7], $0x2FFFF;
	_ =	strace $0x9FFFFFFF  }
0x3a: {  	(tm) =	ssettm $0x7FFFFFFF  }
0x3b: {  	_ =	shalt  }
tec
execute0_lowered:
.L_overlay_start_1:
0x0: {  	(tag) =	ssettag $0x1  }
0x1: {  	s0 =	srdreg.scid;
	s2 =	rddreg [dreg:$0x0]  }
0x2: {  	s3 =	rddreg [dreg:$0x1];
	s1 =	stileid.u32  }
0x3: {  	s5 =	simm.s32 $0x1;
	s7 =	simm.s32 $0x2;
	s0 =	sshll.u32 s0, $0x4  }
.Ltmp0:
0x4: {  	s8 =	simm.s32 $0x0;
	s4 =	sand.u32 $0x10, s0;
	(pc) =	sbr.rel .LBB1_1-.Ltmp0, $4  }
0x5: {  	s9 =	simm.s32 $0x0;
	s12 =	simm.s32 $0x0;
	s4 =	sor.u32 s1, s4  }
0x6: {  	s0 =	rddreg [dreg:$0x2];
	_ =	strace $0x80000047;
	s6 =	ssub.s32 $0x1889, s4  }
0x7: {  	s11 =	simm.s32 $0x0;
	[sflag:s5] =	ssyncpa.u1 $0x0;
	s6 =	sshrl.u32 s6, $0x5  }
0x8: {  	[sflag:s7] =	ssyncpa.u1 $0x0;
	s10 =	smov.u32 s4;
	s7 =	sadd.s32 $0x1, s6  }
.LBB1_7:
0x9: {  	s14 =	sadd.s32 $0x20, s10  }
0xa: {  	p1 =	sgt.s32 s14, $0x1869  }
0xb: {  	s14 =	smov.u32 @p1 s4;
	p1 =	sne.s32 s11, s7  }
.Ltmp1:
0xc: {  	p0 =	slt.u32 s11, $0x2;
	(pc) =	sbr.rel @!p1 .LBB1_8-.Ltmp1, $4  }
0xd: {  	s13 =	simm.s32 @!p0 $0x2  }
0xe: {  	s15 =	sadd.s32 $0x1, s11;
	_ =	swait.ge @!p0 [sflag:s13], $0x4000  }
0xf: {  	s12 =	smov.u32 s10;
	s9 =	sadd.s32 $0x4000, s9;
	[sflag:s13] =	ssyncset.done @!p0 $0x0  }
0x10: {  	s11 =	smov.u32 s15;
	s10 =	smov.u32 s14;
	[sflag:s13] =	ssyncadd.s32 @!p0 $0xFFFFC000  }
.LBB1_1:
0x11: {  	p0 =	sge.u32 s11, s6  }
0x12: {  	s13 =	sxor.u32 @!p0 $0xFFFFFFFF, s11  }
0x13: {  	s31 =	sadd.s32 $0xFFFFFFFF, s11;
	s14 =	sshll.u32 @!p0 s10, $0xB;
	s13 =	sshll.u32 @!p0 s13, $0xE  }
0x14: {  	s15 =	simm.s32 @!p0 $0x0;
	s14 =	sadd.s32 @!p0 s2, s14;
	s13 =	sand.u32 @!p0 $0x4000, s13  }
0x15: {  	[tilespmem:s13], [sflag:$0x1] =	stream.linear.gather @!p0 [hbm4b:s14+s15], $0x4000, $0x38;
	[tilespmem:$0x10000] =	vst v63  }
0x16: {  	p0 =	sge.u32 s31, s6  }
.Ltmp2:
0x17: {  	_ = 	snop;
	(pc) =	sbr.rel @p0 .LBB1_7-.Ltmp2, $1  }
0x18: {  	_ =	sdelay $0x3  }
0x19: {  	s14 =	sand.u32 $0x4000, s9  }
0x1a: {  	_ =	swait.ge [sflag:s5], $0x4000;
	s15 =	sshll.u32 s11, $0xE;
	s16 =	simm.s32 $0x0  }
0x1b: {  	s13 =	sor.u32 $0x8040, s14;
	[sflag:s5] =	ssyncset.done $0x0;
	s15 =	sand.u32 $0x4000, s15  }
0x1c: {  	s14 =	sor.u32 $0x40, s14;
	[sflag:s5] =	ssyncadd.s32 $0xFFFFC000;
	s15 =	sor.u32 $0x8000, s15  }
.LBB1_3:
0x1d: {  	v0 =	vmov s14;
	_ =	sdelay $0x3  }
0x1e: {  	s18 =	simm.s32 $0x0  }
0x1f: {  	v6 =	vld.idx.msk [tilespmem:v0+s18+$0x30 ss:$0x1], $0xffff  }
0x20: {  	v7 =	vld.idx.msk [tilespmem:v0+s18+$0xFFFFFFC0 ss:$0x1], $0xffff  }
0x21: {  	v5 =	vld.idx.msk [tilespmem:v0+s18+$0xFFFFFFD0 ss:$0x1], $0xffff  }
0x22: {  	v4 =	vld.idx.msk [tilespmem:v0+s18+$0xFFFFFFE0 ss:$0x1], $0xffff  }
0x23: {  	v3 =	vld.idx.msk [tilespmem:v0+s18+$0xFFFFFFF0 ss:$0x1], $0xffff  }
0x24: {  	v1 =	vld.idx.msk [tilespmem:v0+s18+$0x0 ss:$0x1], $0xffff  }
0x25: {  	v2 =	vld.idx.msk [tilespmem:v0+s18+$0x10 ss:$0x1], $0xffff;
	[tilespmem:s13+$0x30] =	vst v6  }
0x26: {  	s17 =	simm.s32 $0x80;
	s19 =	simm.s32 $0x400;
	[tilespmem:s13+$0xFFFFFFC0] =	vst v7;
	v6 =	vld.idx.msk [tilespmem:v0+s18+$0x20 ss:$0x1], $0xffff;
	s18 =	smov.u32 s13  }
.LBB1_4:
0x27: {  	p0 =	sne.s32 s19, $0xE00;
	v7 =	vld.idx.msk [tilespmem:v0+s17+$0x30 ss:$0x1], $0xffff;
	[tilespmem:s18+$0xFFFFFFD0] =	vst v5  }
0x28: {  	v8 =	vld.idx.msk [tilespmem:v0+s17+$0xFFFFFFC0 ss:$0x1], $0xffff;
	[tilespmem:s18+$0xFFFFFFE0] =	vst v4  }
0x29: {  	v5 =	vld.idx.msk [tilespmem:v0+s17+$0xFFFFFFD0 ss:$0x1], $0xffff;
	[tilespmem:s18+$0xFFFFFFF0] =	vst v3  }
.Ltmp3:
0x2a: {  	v4 =	vld.idx.msk [tilespmem:v0+s17+$0xFFFFFFE0 ss:$0x1], $0xffff;
	[tilespmem:s18+$0x0] =	vst v1;
	(pc) =	sbr.rel @p0 .LBB1_4-.Ltmp3, $4  }
0x2b: {  	v3 =	vld.idx.msk [tilespmem:v0+s17+$0xFFFFFFF0 ss:$0x1], $0xffff;
	[tilespmem:s18+$0x10] =	vst v2  }
0x2c: {  	v1 =	vld.idx.msk [tilespmem:v0+s17+$0x0 ss:$0x1], $0xffff;
	[tilespmem:s18+$0x20] =	vst v6;
	s18 =	sadd.s32 $0x800, s18  }
0x2d: {  	v2 =	vld.idx.msk [tilespmem:v0+s17+$0x10 ss:$0x1], $0xffff;
	[tilespmem:s18+$0x30] =	vst v7  }
0x2e: {  	[tilespmem:s18+$0xFFFFFFC0] =	vst v8;
	v6 =	vld.idx.msk [tilespmem:v0+s17+$0x20 ss:$0x1], $0xffff;
	s17 =	sshra.s32 s19, $0x2;
	s19 =	sadd.s32 $0x200, s19  }
0x2f: {  	_ =	sdelay $0x2  }
0x30: {  	[tilespmem:s18+$0xFFFFFFD0] =	vst v5  }
0x31: {  	v56 =	vld.idx.msk [tilespmem:v0+s17+$0x30 ss:$0x1], $0xffff;
	[tilespmem:s18+$0xFFFFFFE0] =	vst v4  }
0x32: {  	v57 =	vld.idx.msk [tilespmem:v0+s17+$0xFFFFFFC0 ss:$0x1], $0xffff;
	[tilespmem:s18+$0xFFFFFFF0] =	vst v3  }
0x33: {  	v58 =	vld.idx.msk [tilespmem:v0+s17+$0xFFFFFFD0 ss:$0x1], $0xffff;
	[tilespmem:s18+$0x0] =	vst v1  }
0x34: {  	v59 =	vld.idx.msk [tilespmem:v0+s17+$0xFFFFFFE0 ss:$0x1], $0xffff;
	[tilespmem:s18+$0x10] =	vst v2  }
0x35: {  	v60 =	vld.idx.msk [tilespmem:v0+s17+$0xFFFFFFF0 ss:$0x1], $0xffff;
	s31 =	sadd.s32 $0x800, s18;
	[tilespmem:s18+$0x20] =	vst v6  }
0x36: {  	v61 =	vld.idx.msk [tilespmem:v0+s17+$0x0 ss:$0x1], $0xffff;
	[tilespmem:s31+$0x30] =	vst v56  }
0x37: {  	v62 =	vld.idx.msk [tilespmem:v0+s17+$0x10 ss:$0x1], $0xffff;
	s16 =	sadd.s32 $0x1, s16;
	[tilespmem:s31+$0xFFFFFFC0] =	vst v57  }
0x38: {  	v63 =	vld.idx.msk [tilespmem:v0+s17+$0x20 ss:$0x1], $0xffff;
	p0 =	sne.s32 s16, $0x10;
	[tilespmem:s31+$0xFFFFFFD0] =	vst v58  }
.Ltmp4:
0x39: {  	[tilespmem:s31+$0xFFFFFFE0] =	vst v59;
	(pc) =	sbr.rel @p0 .LBB1_3-.Ltmp4, $4  }
0x3a: {  	[tilespmem:s31+$0xFFFFFFF0] =	vst v60  }
0x3b: {  	[tilespmem:s31+$0x0] =	vst v61  }
0x3c: {  	[tilespmem:s31+$0x10] =	vst v62  }
0x3d: {  	s13 =	sadd.s32 $0x80, s13;
	s14 =	sadd.s32 $0x400, s14;
	[tilespmem:s31+$0x20] =	vst v63  }
.Ltmp5:
0x3e: {  	(pc) =	sbr.rel .LBB1_7-.Ltmp5, $4  }
0x3f: {  	_ = 	snop  }
0x40: {  	s12 =	sshll.u32 s12, $0xB  }
0x41: {  	s12 =	sadd.s32 s3, s12  }
0x42: {  	[hbm4b:s12+s8] =	stream.linear.scatter [tilespmem:s15], [sflag:$0x2], $0x4000, $0x38;
	[tilespmem:$0x10000] =	vst v63  }
.LBB1_8:
0x43: {  	_ =	sfence.sel $0x180000  }
0x44: {  	s2 =	simm.s32 $0x1;
	[bflag:$0x0] =	sbarrier.arrive $0xFFFF  }
0x45: {  	s31 =	simm.s32 $0x2;
	[sflag:s2] =	ssyncpa.u1 $0x1  }
0x46: {  	[sflag:s31] =	ssyncpa.u1 $0x1  }
0x47: {  	p0 =	sne.s32 s1, $0x0;
	_ =	strace $0x90000047  }
0x48: {  	s0 =	sadd.s32 @!p0 $0x100000, s0;
	[bflag:$0x2] =	sbarrier.arrive $0xFFFF  }
0x49: {  	[sflag:s0] =	ssyncadd.tile.s32 @!p0 $0x1;
	_ =	shalt  }
.Lfunc_end1:
_tile_overlayer_lowered:
.L_overlay_start_2:
0x4a: {  	(tag) =	ssettag $0x2  }
0x4b: {  	s0 =	rddreg [dreg:$0x0];
	s2 =	stileid.u32  }
0x4c: {  	s1 =	rddreg [dreg:$0x1];
	p0 =	sne.s32 s2, $0x0  }
0x4d: {  	s3 =	rddreg [dreg:$0x2];
	[bflag:$0x3] =	sbarrier.arrive $0xFFFF;
	s2 =	simm.s32 @!p0 $0x1C01  }
0x4e: {  	[timem:s3], [sflag:s2] =	dma.local @!p0 [hbm:s0], s1  }
0x4f: {  	s0 =	simm.s32 @!p0 $0x1  }
0x50: {  	_ =	swait.ge @!p0 [sflag:s0], s1  }
0x51: {  	s1 =	ssub.s32 @!p0 $0x0, s1;
	[sflag:s0] =	ssyncset.done @!p0 $0x0  }
0x52: {  	[sflag:s0] =	ssyncadd.s32 @!p0 s1  }
0x53: {  	[bflag:$0x3] =	sbarrier.arrive $0xFFFF  }
0x54: {  	_ =	shalt  }

// kernel: sparse-core-data-format-call.cloned.1.call-start
scs
called_computation_lowered:
.L_overlay_start_0:
0x0: {  	s2 =	sld [smem:$0x3FD9]  }
0x1: {  	s3 =	sld [smem:$0x3FFE];
	_ =	sdelay $0x1  }
0x2: {  	s1 =	srdreg.scid  }
0x3: {  	s0 =	sand.u32 $0x1, s1  }
0x4: {  	s15 =	sshll.u32 s0, $0xA;
	s2 =	sadd.s32 s3, s2  }
0x5: {  	s2 =	sadd.s32 s2, s15  }
0x6: {  	[smem:$0x3FC2] =	sst s2  }
0x7: {  	_ = 	snop  }
0x8: {  	s2 =	sld [smem:$0x3FD0];
	_ =	sdelay $0x2  }
0x9: {  	s16 =	simm.s32 $0xA;
	s4 =	simm.s32 $0x10  }
0xa: {  	[smem:s4], [sflag:s16] =	dma.local [hbm:s2], $0x1  }
0xb: {  	_ =	swait.eq [sflag:s16], $0x1  }
0xc: {  	[sflag:s16] =	ssyncset.done $0x0  }
0xd: {  	[sflag:s16] =	ssyncadd.s32 $0xFFFFFFFF  }
0xe: {  	s17 =	sld [smem:$0x11];
	(tm) =	ssettm $0x1  }
0xf: {  	s18 =	sld [smem:$0x3FFB];
	_ =	sdelay $0x3  }
0x10: {  	_ =	strace s18  }
0x11: {  	s3 =	sld [smem:$0x3FFC];
	_ =	sdelay $0x3  }
0x12: {  	_ =	strace s3  }
0x13: {  	s3 =	sld [smem:$0x3FFD];
	_ =	sdelay $0x3  }
0x14: {  	_ =	strace s3  }
0x15: {  	_ =	strace $0x8FFFFFFF  }
0x16: {  	s19 =	sld [smem:$0x3FDB];
	_ =	sdelay $0x1  }
0x17: {  	s20 =	simm.s32 $_scs_section_size  }
0x18: {  	s5 =	simm.s32 $_size__tile_overlayer_lowered;
	s6 =	simm.s32 $_tile_overlayer_lowered  }
0x19: {  	s23 =	simm.s32 $0x1BFF;
	s22 =	sshll.u32 s6, $0x1;
	s3 =	sadd.s32 s20, s19  }
0x1a: {  	s7 =	simm.s32 $0x0;
	s21 =	sshll.u32 s5, $0x1;
	s5 =	sadd.s32 s22, s3  }
0x1b: {  	[timem:s7], [sflag:s23] =	dma.local [hbm:s5], s21  }
0x1c: {  	_ =	swait.ge [sflag:s23], s21  }
0x1d: {  	s4 =	ssub.s32 $0x0, s21;
	[sflag:s23] =	ssyncset.done $0x0  }
0x1e: {  	[sflag:s23] =	ssyncadd.s32 s4;
	_ =	sdelay $0x1  }
0x1f: {  	s24 =	simm.s32 $0x1B8B  }
0x20: {  	_ =	swait.ge [sflag:s24], $0x1  }
0x21: {  	[sflag:s24] =	ssyncset.done $0x0  }
0x22: {  	s26 =	simm.s32 $0x1B8E;
	s25 =	sld [smem:$0x3FFE];
	[sflag:s24] =	ssyncadd.s32 $0xFFFFFFFF  }
0x23: {  	s27 =	simm.s32 $execute0_lowered;
	[smem:$0x3FD2] =	sst s26  }
0x24: {  	s5 =	sshll.u32 s27, $0x1;
	_ =	strace $0x80000049;
	[dreg:$0x1] =	wrdreg $0xFFFFFFFF  }
0x25: {  	s28 =	simm.s32 $_size_execute0_lowered;
	s3 =	sadd.s32 s3, s5;
	[dreg:$0x0] =	wrdreg $0x0  }
0x26: {  	s5 =	sshll.u32 s28, $0x1;
	[dreg:$0x2] =	wrdreg s3  }
0x27: {  	[dreg:$0x3] =	wrdreg s5  }
0x28: {  	[dreg:$0x4] =	wrdreg $0xC0  }
0x29: {  	_ =	task [dreg:s7], $0x5FFFF  }
0x2a: {  	[dreg:$0x1] =	wrdreg $0xFFFFFFFF  }
0x2b: {  	[dreg:$0x0] =	wrdreg $0x60  }
0x2c: {  	[dreg:$0x2] =	wrdreg s25  }
0x2d: {  	[dreg:$0x3] =	wrdreg s17  }
0x2e: {  	[dreg:$0x4] =	wrdreg $0x9  }
0x2f: {  	_ =	task.clear_ibuf [dreg:s7], $0x5FFFF;
	_ =	strace $0x90000049  }
0x30: {  	s29 =	simm.s32 $0x9;
	_ =	strace $0x8000004B  }
0x31: {  	_ =	swait.ge [sflag:s29], $0x1  }
0x32: {  	[sflag:s29] =	ssyncadd.s32 $0xFFFFFFFF  }
0x33: {  	_ =	strace $0x9000004B  }
0x34: {  	_ =	sfence  }
0x35: {  	s30 =	sld [smem:$0x0];
	_ =	sdelay $0x2  }
0x36: {  	s31 =	sshll.u32 s1, $0xD;
	s1 =	sshrl.u32 s1, $0x2  }
0x37: {  	s3 =	sand.u32 $0x4000, s31;
	s1 =	sadd.s32 s1, s30  }
0x38: {  	s0 =	sor.u32 s3, s0;
	s1 =	sshll.u32 s1, $0x11  }
0x39: {  	s0 =	sor.u32 s1, s0  }
0x3a: {  	s0 =	sadd.s32 $0x8F2B, s0  }
0x3b: {  	[sflag:s0] =	ssyncadd.remote.s32 $0x1  }
0x3c: {  	_ =	sfence.sel $0xFFFF  }
0x3d: {  	[dreg:$0x0] =	wrdreg $0xFFFFFFFF;
	(pc) =	sbr.abs _section_cstart, $3  }
0x3e: {  	[dreg:$0x1] =	wrdreg $0xFFFFFFFF  }
0x3f: {  	_ =	task.clear_ibuf [dreg:s7], $0x2FFFF;
	_ =	strace $0x9FFFFFFF  }
0x40: {  	(tm) =	ssettm $0x7FFFFFFF  }
0x41: {  	_ =	shalt  }
tec
execute0_lowered:
.L_overlay_start_1:
0x0: {  	(tag) =	ssettag $0x1  }
0x1: {  	s4 =	rddreg [dreg:$0x0];
	s0 =	srdreg.scid  }
0x2: {  	s2 =	rddreg [dreg:$0x1];
	s1 =	stileid.u32;
	s5 =	simm.s32 $0x1  }
0x3: {  	s7 =	simm.s32 $0x2;
	s8 =	simm.s32 $0x0;
	s3 =	sshll.u32 s0, $0x4  }
.Ltmp0:
0x4: {  	s9 =	simm.s32 $0x0;
	s3 =	sand.u32 $0x10, s3;
	(pc) =	sbr.rel .LBB1_1-.Ltmp0, $4  }
0x5: {  	s12 =	simm.s32 $0x0;
	s11 =	simm.s32 $0x0;
	s3 =	sor.u32 s1, s3  }
0x6: {  	s0 =	rddreg [dreg:$0x2];
	_ =	strace $0x8000004A;
	s6 =	ssub.s32 $0x290, s3  }
0x7: {  	s4 =	sadd.s32 $0xE7F200, s4;
	[sflag:s5] =	ssyncpa.u1 $0x0;
	s6 =	sshrl.u32 s6, $0x5  }
0x8: {  	[sflag:s7] =	ssyncpa.u1 $0x0;
	s10 =	smov.u32 s3;
	s7 =	sadd.s32 $0x1, s6  }
.LBB1_7:
0x9: {  	s14 =	sadd.s32 $0x20, s10  }
0xa: {  	p1 =	sgt.s32 s14, $0x270  }
0xb: {  	s14 =	smov.u32 @p1 s3;
	p1 =	sne.s32 s11, s7  }
.Ltmp1:
0xc: {  	p0 =	slt.u32 s11, $0x2;
	(pc) =	sbr.rel @!p1 .LBB1_8-.Ltmp1, $4  }
0xd: {  	s13 =	simm.s32 @!p0 $0x2  }
0xe: {  	s15 =	sadd.s32 $0x1, s11;
	_ =	swait.ge @!p0 [sflag:s13], $0x4000  }
0xf: {  	s12 =	smov.u32 s10;
	s9 =	sadd.s32 $0x4000, s9;
	[sflag:s13] =	ssyncset.done @!p0 $0x0  }
0x10: {  	s11 =	smov.u32 s15;
	s10 =	smov.u32 s14;
	[sflag:s13] =	ssyncadd.s32 @!p0 $0xFFFFC000  }
.LBB1_1:
0x11: {  	p0 =	sge.u32 s11, s6  }
0x12: {  	s13 =	sxor.u32 @!p0 $0xFFFFFFFF, s11  }
0x13: {  	s31 =	sadd.s32 $0xFFFFFFFF, s11;
	s14 =	sshll.u32 @!p0 s10, $0xB;
	s13 =	sshll.u32 @!p0 s13, $0xE  }
0x14: {  	s15 =	simm.s32 @!p0 $0x0;
	s14 =	sadd.s32 @!p0 s4, s14;
	s13 =	sand.u32 @!p0 $0x4000, s13  }
0x15: {  	[tilespmem:s13], [sflag:$0x1] =	stream.linear.gather @!p0 [hbm4b:s14+s15], $0x4000, $0x38;
	[tilespmem:$0x10000] =	vst v63  }
0x16: {  	p0 =	sge.u32 s31, s6  }
.Ltmp2:
0x17: {  	_ = 	snop;
	(pc) =	sbr.rel @p0 .LBB1_7-.Ltmp2, $1  }
0x18: {  	_ =	sdelay $0x3  }
0x19: {  	s14 =	sand.u32 $0x4000, s9  }
0x1a: {  	_ =	swait.ge [sflag:s5], $0x4000;
	s15 =	sshll.u32 s11, $0xE;
	s16 =	simm.s32 $0x0  }
0x1b: {  	s13 =	sor.u32 $0x8040, s14;
	[sflag:s5] =	ssyncset.done $0x0;
	s15 =	sand.u32 $0x4000, s15  }
0x1c: {  	s14 =	sor.u32 $0x40, s14;
	[sflag:s5] =	ssyncadd.s32 $0xFFFFC000;
	s15 =	sor.u32 $0x8000, s15  }
.LBB1_3:
0x1d: {  	v0 =	vmov s14;
	_ =	sdelay $0x3  }
0x1e: {  	s18 =	simm.s32 $0x0  }
0x1f: {  	v6 =	vld.idx.msk [tilespmem:v0+s18+$0x30 ss:$0x1], $0xffff  }
0x20: {  	v7 =	vld.idx.msk [tilespmem:v0+s18+$0xFFFFFFC0 ss:$0x1], $0xffff  }
0x21: {  	v5 =	vld.idx.msk [tilespmem:v0+s18+$0xFFFFFFD0 ss:$0x1], $0xffff  }
0x22: {  	v4 =	vld.idx.msk [tilespmem:v0+s18+$0xFFFFFFE0 ss:$0x1], $0xffff  }
0x23: {  	v3 =	vld.idx.msk [tilespmem:v0+s18+$0xFFFFFFF0 ss:$0x1], $0xffff  }
0x24: {  	v1 =	vld.idx.msk [tilespmem:v0+s18+$0x0 ss:$0x1], $0xffff  }
0x25: {  	v2 =	vld.idx.msk [tilespmem:v0+s18+$0x10 ss:$0x1], $0xffff;
	[tilespmem:s13+$0x30] =	vst v6  }
0x26: {  	s17 =	simm.s32 $0x80;
	s19 =	simm.s32 $0x400;
	[tilespmem:s13+$0xFFFFFFC0] =	vst v7;
	v6 =	vld.idx.msk [tilespmem:v0+s18+$0x20 ss:$0x1], $0xffff;
	s18 =	smov.u32 s13  }
.LBB1_4:
0x27: {  	p0 =	sne.s32 s19, $0x1E00;
	v7 =	vld.idx.msk [tilespmem:v0+s17+$0x30 ss:$0x1], $0xffff;
	[tilespmem:s18+$0xFFFFFFD0] =	vst v5  }
0x28: {  	v8 =	vld.idx.msk [tilespmem:v0+s17+$0xFFFFFFC0 ss:$0x1], $0xffff;
	[tilespmem:s18+$0xFFFFFFE0] =	vst v4  }
0x29: {  	v5 =	vld.idx.msk [tilespmem:v0+s17+$0xFFFFFFD0 ss:$0x1], $0xffff;
	[tilespmem:s18+$0xFFFFFFF0] =	vst v3  }
.Ltmp3:
0x2a: {  	v4 =	vld.idx.msk [tilespmem:v0+s17+$0xFFFFFFE0 ss:$0x1], $0xffff;
	[tilespmem:s18+$0x0] =	vst v1;
	(pc) =	sbr.rel @p0 .LBB1_4-.Ltmp3, $4  }
0x2b: {  	v3 =	vld.idx.msk [tilespmem:v0+s17+$0xFFFFFFF0 ss:$0x1], $0xffff;
	[tilespmem:s18+$0x10] =	vst v2  }
0x2c: {  	v1 =	vld.idx.msk [tilespmem:v0+s17+$0x0 ss:$0x1], $0xffff;
	[tilespmem:s18+$0x20] =	vst v6;
	s18 =	sadd.s32 $0x400, s18  }
0x2d: {  	v2 =	vld.idx.msk [tilespmem:v0+s17+$0x10 ss:$0x1], $0xffff;
	[tilespmem:s18+$0x30] =	vst v7  }
0x2e: {  	[tilespmem:s18+$0xFFFFFFC0] =	vst v8;
	v6 =	vld.idx.msk [tilespmem:v0+s17+$0x20 ss:$0x1], $0xffff;
	s17 =	sshra.s32 s19, $0x2;
	s19 =	sadd.s32 $0x200, s19  }
0x2f: {  	_ =	sdelay $0x2  }
0x30: {  	[tilespmem:s18+$0xFFFFFFD0] =	vst v5  }
0x31: {  	v56 =	vld.idx.msk [tilespmem:v0+s17+$0x30 ss:$0x1], $0xffff;
	[tilespmem:s18+$0xFFFFFFE0] =	vst v4  }
0x32: {  	v57 =	vld.idx.msk [tilespmem:v0+s17+$0xFFFFFFC0 ss:$0x1], $0xffff;
	[tilespmem:s18+$0xFFFFFFF0] =	vst v3  }
0x33: {  	v58 =	vld.idx.msk [tilespmem:v0+s17+$0xFFFFFFD0 ss:$0x1], $0xffff;
	[tilespmem:s18+$0x0] =	vst v1  }
0x34: {  	v59 =	vld.idx.msk [tilespmem:v0+s17+$0xFFFFFFE0 ss:$0x1], $0xffff;
	[tilespmem:s18+$0x10] =	vst v2  }
0x35: {  	v60 =	vld.idx.msk [tilespmem:v0+s17+$0xFFFFFFF0 ss:$0x1], $0xffff;
	s31 =	sadd.s32 $0x400, s18;
	[tilespmem:s18+$0x20] =	vst v6  }
0x36: {  	v61 =	vld.idx.msk [tilespmem:v0+s17+$0x0 ss:$0x1], $0xffff;
	[tilespmem:s31+$0x30] =	vst v56  }
0x37: {  	v62 =	vld.idx.msk [tilespmem:v0+s17+$0x10 ss:$0x1], $0xffff;
	s16 =	sadd.s32 $0x1, s16;
	[tilespmem:s31+$0xFFFFFFC0] =	vst v57  }
0x38: {  	v63 =	vld.idx.msk [tilespmem:v0+s17+$0x20 ss:$0x1], $0xffff;
	p0 =	sne.s32 s16, $0x8;
	[tilespmem:s31+$0xFFFFFFD0] =	vst v58  }
.Ltmp4:
0x39: {  	[tilespmem:s31+$0xFFFFFFE0] =	vst v59;
	(pc) =	sbr.rel @p0 .LBB1_3-.Ltmp4, $4  }
0x3a: {  	[tilespmem:s31+$0xFFFFFFF0] =	vst v60  }
0x3b: {  	[tilespmem:s31+$0x0] =	vst v61  }
0x3c: {  	[tilespmem:s31+$0x10] =	vst v62  }
0x3d: {  	s13 =	sadd.s32 $0x80, s13;
	s14 =	sadd.s32 $0x800, s14;
	[tilespmem:s31+$0x20] =	vst v63  }
.Ltmp5:
0x3e: {  	(pc) =	sbr.rel .LBB1_7-.Ltmp5, $4  }
0x3f: {  	_ = 	snop  }
0x40: {  	s12 =	sshll.u32 s12, $0xB  }
0x41: {  	s12 =	sadd.s32 s2, s12  }
0x42: {  	[hbm4b:s12+s8] =	stream.linear.scatter [tilespmem:s15], [sflag:$0x2], $0x4000, $0x38;
	[tilespmem:$0x10000] =	vst v63  }
.LBB1_8:
0x43: {  	_ =	sfence.sel $0x180000  }
0x44: {  	s2 =	simm.s32 $0x1;
	[bflag:$0x0] =	sbarrier.arrive $0xFFFF  }
0x45: {  	s31 =	simm.s32 $0x2;
	[sflag:s2] =	ssyncpa.u1 $0x1  }
0x46: {  	[sflag:s31] =	ssyncpa.u1 $0x1  }
0x47: {  	p0 =	sne.s32 s1, $0x0;
	_ =	strace $0x9000004A  }
0x48: {  	s0 =	sadd.s32 @!p0 $0x100000, s0;
	[bflag:$0x2] =	sbarrier.arrive $0xFFFF  }
0x49: {  	[sflag:s0] =	ssyncadd.tile.s32 @!p0 $0x1;
	_ =	shalt  }
.Lfunc_end1:
_tile_overlayer_lowered:
.L_overlay_start_2:
0x4a: {  	(tag) =	ssettag $0x2  }
0x4b: {  	s0 =	rddreg [dreg:$0x0];
	s2 =	stileid.u32  }
0x4c: {  	s1 =	rddreg [dreg:$0x1];
	p0 =	sne.s32 s2, $0x0  }
0x4d: {  	s3 =	rddreg [dreg:$0x2];
	[bflag:$0x3] =	sbarrier.arrive $0xFFFF;
	s2 =	simm.s32 @!p0 $0x1C01  }
0x4e: {  	[timem:s3], [sflag:s2] =	dma.local @!p0 [hbm:s0], s1  }
0x4f: {  	s0 =	simm.s32 @!p0 $0x1  }
0x50: {  	_ =	swait.ge @!p0 [sflag:s0], s1  }
0x51: {  	s1 =	ssub.s32 @!p0 $0x0, s1;
	[sflag:s0] =	ssyncset.done @!p0 $0x0  }
0x52: {  	[sflag:s0] =	ssyncadd.s32 @!p0 s1  }
0x53: {  	[bflag:$0x3] =	sbarrier.arrive $0xFFFF  }
0x54: {  	_ =	shalt  }

</sc_bundles>
